<compile_context>
chip_gen: v7x
topology: tpu7x:2x2x1
jax: 0.10.2.dev20260603
libtpu: 0.0.44.dev20260713+nightly
codegen_flags: <defaults>
</compile_context>

<pallas_src>
import functools

import jax
import jax.numpy as jnp
from jax import lax
from jax.experimental import pallas as pl
from jax.experimental.pallas import tpu as pltpu
from jax.experimental.pallas import tpu_sc as plsc

N_TOK = 100000
D = 128
B = 4096
H = 50

MV_BLK = 8192
MV_GRID = 13
N_PAD = MV_BLK * MV_GRID

NC = 2
NS = 16
NW = NC * NS
CHUNK = (B * H) // NW
RPW = B // NW
STEPS = CHUNK // 16
ACC = 64


def _matvec_body(w_ref, e_ref, o_ref):
    r = lax.dot_general(
        w_ref[...].astype(jnp.bfloat16), e_ref[...].astype(jnp.bfloat16),
        (((1,), (1,)), ((), ())), preferred_element_type=jnp.float32)
    o_ref[...] = r.reshape(MV_BLK)


def _matvec(emb_table, W):
    return pl.pallas_call(
        _matvec_body,
        grid=(MV_GRID,),
        in_specs=[
            pl.BlockSpec((1, D), lambda i: (0, 0)),
            pl.BlockSpec((MV_BLK, D), lambda i: (i, 0)),
        ],
        out_specs=pl.BlockSpec((MV_BLK,), lambda i: (i,)),
        out_shape=jax.ShapeDtypeStruct((N_PAD,), jnp.float32),
    )(W, emb_table)


def _pool_body(t_hbm, xs_hbm, out_hbm, t_v, x_v, s_v, acc_v,
               sem_t, sem_x, sem_s):
    wid = lax.axis_index("s") * NC + lax.axis_index("c")
    base = wid * CHUNK
    ct = pltpu.async_copy(t_hbm, t_v, sem_t)
    cx = pltpu.async_copy(xs_hbm.at[pl.ds(base, CHUNK)], x_v, sem_x)
    cs = pltpu.async_copy(xs_hbm.at[pl.ds(B * H + base, CHUNK)], s_v, sem_s)
    for j in range(ACC // 16):
        acc_v[pl.ds(j * 16, 16)] = jnp.zeros((16,), jnp.float32)
    cx.wait()
    cs.wait()
    ct.wait()

    def body(i, carry):
        off = i * 16
        idx = x_v[pl.ds(off, 16)]
        sv = plsc.bitcast(s_v[pl.ds(off, 16)], jnp.float32)
        vals = plsc.load_gather(t_v, [idx])
        lidx = lax.rem(off + lax.iota(jnp.int32, 16), jnp.int32(H))
        plsc.addupdate_scatter(acc_v, [lidx], vals * sv)
        return carry

    lax.fori_loop(0, STEPS, body, 0, unroll=4)
    pltpu.sync_copy(acc_v, out_hbm.at[wid])


def _pool(t, xs_packed):
    mesh = plsc.VectorSubcoreMesh(
        core_axis_name="c", subcore_axis_name="s",
        num_cores=NC, num_subcores=NS)
    run = pl.kernel(
        _pool_body,
        out_type=jax.ShapeDtypeStruct((NW, ACC), jnp.float32),
        mesh=mesh,
        compiler_params=pltpu.CompilerParams(needs_layout_passes=False),
        scratch_types=[
            pltpu.VMEM((N_PAD,), jnp.float32),
            pltpu.VMEM((CHUNK,), jnp.int32),
            pltpu.VMEM((CHUNK,), jnp.int32),
            pltpu.VMEM((ACC,), jnp.float32),
            pltpu.SemaphoreType.DMA,
            pltpu.SemaphoreType.DMA,
            pltpu.SemaphoreType.DMA,
        ],
    )
    return run(t, xs_packed)


def _combine_body(p_ref, b_ref, o_ref):
    pooled = jnp.sum(p_ref[...], axis=0, keepdims=True) * (1.0 / B)
    o_ref[...] = jax.nn.sigmoid(pooled + b_ref[0, 0])


def _combine(partials, b):
    return pl.pallas_call(
        _combine_body,
        in_specs=[
            pl.BlockSpec((NW, ACC), lambda: (0, 0)),
            pl.BlockSpec((1, 1), lambda: (0, 0)),
        ],
        out_specs=pl.BlockSpec((1, ACC), lambda: (0, 0)),
        out_shape=jax.ShapeDtypeStruct((1, ACC), jnp.float32),
    )(partials, b.reshape(1, 1))


def kernel(x, score, emb_table, W, b):
    t = _matvec(emb_table, W)
    xs_packed = jnp.concatenate([
        x.reshape(-1).astype(jnp.int32),
        lax.bitcast_convert_type(score.reshape(-1), jnp.int32),
    ])
    partials = _pool(t, xs_packed)
    out = _combine(partials, b)
    return out[0, :H].reshape(H, 1)

# --- scband reference (transcript-rebuilt; emitter-appended) ---
"""Pipeline reference for scband-logistic-regression-31413390802998 (READ-ONLY COPY).

The authoritative reference and input builder live on the scoring server;
editing this copy changes nothing except your own understanding.
"""

import jax, jax.numpy as jnp
import numpy as np

N_TOKENS = 100000
EMBEDDING_DIM = 128
OUT_DIM = 1
BATCH = 4096
HIST = 50

def setup_inputs(seed: int = 0) -> dict:
    key = jax.random.key(seed)
    k1, k2, k3, k4, k5 = jax.random.split(key, 5)
    x = jax.random.randint(k1, (BATCH, HIST), 0, N_TOKENS, dtype=jnp.int64 if jax.config.jax_enable_x64 else jnp.int32)
    score = jax.random.uniform(k2, (BATCH, HIST, 1), dtype=jnp.float32)
    emb_table = jax.random.normal(k3, (N_TOKENS, EMBEDDING_DIM), dtype=jnp.float32) * 0.02
    W = jax.random.normal(k4, (OUT_DIM, EMBEDDING_DIM), dtype=jnp.float32) * (1.0 / np.sqrt(EMBEDDING_DIM))
    b = jax.random.normal(k5, (OUT_DIM,), dtype=jnp.float32) * 0.01
    return {"x": x, "score": score, "emb_table": emb_table, "W": W, "b": b}

def reference(x, score, emb_table, W, b):
    # embeddings = self.embedding(x) * score  -> gather + elementwise scale
    embeddings = jnp.take(emb_table, x, axis=0) * score  # [B, L, D]
    # out = self.linear(torch.mean(embeddings, 0))  -> mean over dim 0
    pooled = jnp.mean(embeddings, axis=0)  # [L, D]
    out = pooled @ W.T + b  # [L, 1]
    # dropout treated as identity (eval semantics for determinism)
    return jax.nn.sigmoid(out)

if __name__ == "__main__":
    import jax
    _d = setup_inputs()
    print(jax.jit(kernel)(*tuple(_d.values())))

</pallas_src>

<mosaic_0001>
#map = affine_map<(d0, d1) -> (0)>
#map1 = affine_map<(d0, d1) -> (0, 0)>
module attributes {stable_mosaic.version = 14 : i64} {
  func.func @_pool_body(%arg0: i32, %arg1: i32, %arg2: memref<106496xf32, #tpu.memory_space<hbm>>, %arg3: memref<409600xi32, #tpu.memory_space<hbm>>, %arg4: memref<32x64xf32, #tpu.memory_space<hbm>>, %arg5: memref<106496xf32, #tpu.memory_space<vmem>>, %arg6: memref<6400xi32, #tpu.memory_space<vmem>>, %arg7: memref<6400xi32, #tpu.memory_space<vmem>>, %arg8: memref<64xf32, #tpu.memory_space<vmem>>, %arg9: memref<!tpu.dma_semaphore, #tpu.memory_space<semaphore_mem>>, %arg10: memref<!tpu.dma_semaphore, #tpu.memory_space<semaphore_mem>>, %arg11: memref<!tpu.dma_semaphore, #tpu.memory_space<semaphore_mem>>) attributes {dimension_semantics = [#tpu.dimension_semantics<core_parallel>, #tpu.dimension_semantics<subcore_parallel>], iteration_bounds = array<i64: 2, 16>, scalar_prefetch = 0 : i64, scratch_operands = 7 : i64, tpu.core_type = #tpu.core_type<sc_vector_subcore>, window_params = [{transform_indices = #map}, {transform_indices = #map}, {transform_indices = #map1}]} {
    %mul3A = arith.constant 2 : i32
    %mul3A_0 = arith.muli %arg1, %mul3A : i32
    %add3A = arith.addi %mul3A_0, %arg0 : i32
    %mul3A_1 = arith.constant 6400 : i32
    %mul3A_2 = arith.muli %add3A, %mul3A_1 : i32
    tpu.enqueue_dma source(%arg2 : memref<106496xf32, #tpu.memory_space<hbm>>) target(%arg5 : memref<106496xf32, #tpu.memory_space<vmem>>) target_semaphore(%arg9 : memref<!tpu.dma_semaphore, #tpu.memory_space<semaphore_mem>>)
    %dma_start3A = tpu.memref_slice %arg3[%mul3A_2] : memref<409600xi32, #tpu.memory_space<hbm>> -> memref<6400xi32, #tpu.memory_space<hbm>>
    %dma_start3A_3 = tpu.memref_slice %arg3[%mul3A_2] : memref<409600xi32, #tpu.memory_space<hbm>> -> memref<6400xi32, #tpu.memory_space<hbm>>
    tpu.enqueue_dma source(%dma_start3A_3 : memref<6400xi32, #tpu.memory_space<hbm>>) target(%arg6 : memref<6400xi32, #tpu.memory_space<vmem>>) target_semaphore(%arg10 : memref<!tpu.dma_semaphore, #tpu.memory_space<semaphore_mem>>)
    %add3A_4 = arith.constant 204800 : i32
    %add3A_5 = arith.addi %add3A_4, %mul3A_2 : i32
    %dma_start3A_6 = tpu.memref_slice %arg3[%add3A_5] : memref<409600xi32, #tpu.memory_space<hbm>> -> memref<6400xi32, #tpu.memory_space<hbm>>
    %dma_start3A_7 = tpu.memref_slice %arg3[%add3A_5] : memref<409600xi32, #tpu.memory_space<hbm>> -> memref<6400xi32, #tpu.memory_space<hbm>>
    tpu.enqueue_dma source(%dma_start3A_7 : memref<6400xi32, #tpu.memory_space<hbm>>) target(%arg7 : memref<6400xi32, #tpu.memory_space<vmem>>) target_semaphore(%arg11 : memref<!tpu.dma_semaphore, #tpu.memory_space<semaphore_mem>>)
    %broadcast_in_dim3A = arith.constant 0.000000e+00 : f32
    %broadcast_in_dim3A_8 = vector.broadcast %broadcast_in_dim3A : f32 to vector<16xf32>
    %swap3A = arith.constant 0 : index
    %swap3A_9 = tpu.vector_load %arg8[%swap3A] {strides = array<i32>} : memref<64xf32, #tpu.memory_space<vmem>>, vector<16xf32>,
    tpu.vector_store %arg8[%swap3A], %broadcast_in_dim3A_8 {strides = array<i32>} : memref<64xf32, #tpu.memory_space<vmem>>, vector<16xf32>,
    %broadcast_in_dim3A_10 = arith.constant 0.000000e+00 : f32
    %broadcast_in_dim3A_11 = vector.broadcast %broadcast_in_dim3A_10 : f32 to vector<16xf32>
    %swap3A_12 = arith.constant 16 : index
    %swap3A_13 = tpu.vector_load %arg8[%swap3A_12] {strides = array<i32>} : memref<64xf32, #tpu.memory_space<vmem>>, vector<16xf32>,
    tpu.vector_store %arg8[%swap3A_12], %broadcast_in_dim3A_11 {strides = array<i32>} : memref<64xf32, #tpu.memory_space<vmem>>, vector<16xf32>,
    %broadcast_in_dim3A_14 = arith.constant 0.000000e+00 : f32
    %broadcast_in_dim3A_15 = vector.broadcast %broadcast_in_dim3A_14 : f32 to vector<16xf32>
    %swap3A_16 = arith.constant 32 : index
    %swap3A_17 = tpu.vector_load %arg8[%swap3A_16] {strides = array<i32>} : memref<64xf32, #tpu.memory_space<vmem>>, vector<16xf32>,
    tpu.vector_store %arg8[%swap3A_16], %broadcast_in_dim3A_15 {strides = array<i32>} : memref<64xf32, #tpu.memory_space<vmem>>, vector<16xf32>,
    %broadcast_in_dim3A_18 = arith.constant 0.000000e+00 : f32
    %broadcast_in_dim3A_19 = vector.broadcast %broadcast_in_dim3A_18 : f32 to vector<16xf32>
    %swap3A_20 = arith.constant 48 : index
    %swap3A_21 = tpu.vector_load %arg8[%swap3A_20] {strides = array<i32>} : memref<64xf32, #tpu.memory_space<vmem>>, vector<16xf32>,
    tpu.vector_store %arg8[%swap3A_20], %broadcast_in_dim3A_19 {strides = array<i32>} : memref<64xf32, #tpu.memory_space<vmem>>, vector<16xf32>,
    %dma_wait3A = tpu.memref_slice %arg3[%mul3A_2] : memref<409600xi32, #tpu.memory_space<hbm>> -> memref<6400xi32, #tpu.memory_space<hbm>>
    %dma_wait3A_22 = tpu.memref_slice %arg3[%mul3A_2] : memref<409600xi32, #tpu.memory_space<hbm>> -> memref<6400xi32, #tpu.memory_space<hbm>>
    tpu.wait_dma2 semaphore(%arg10 : memref<!tpu.dma_semaphore, #tpu.memory_space<semaphore_mem>>) src(%dma_wait3A_22 : memref<6400xi32, #tpu.memory_space<hbm>>) dst(%arg6 : memref<6400xi32, #tpu.memory_space<vmem>>)
    %dma_wait3A_23 = tpu.memref_slice %arg3[%add3A_5] : memref<409600xi32, #tpu.memory_space<hbm>> -> memref<6400xi32, #tpu.memory_space<hbm>>
    %dma_wait3A_24 = tpu.memref_slice %arg3[%add3A_5] : memref<409600xi32, #tpu.memory_space<hbm>> -> memref<6400xi32, #tpu.memory_space<hbm>>
    tpu.wait_dma2 semaphore(%arg11 : memref<!tpu.dma_semaphore, #tpu.memory_space<semaphore_mem>>) src(%dma_wait3A_24 : memref<6400xi32, #tpu.memory_space<hbm>>) dst(%arg7 : memref<6400xi32, #tpu.memory_space<vmem>>)
    tpu.wait_dma2 semaphore(%arg9 : memref<!tpu.dma_semaphore, #tpu.memory_space<semaphore_mem>>) src(%arg2 : memref<106496xf32, #tpu.memory_space<hbm>>) dst(%arg5 : memref<106496xf32, #tpu.memory_space<vmem>>)
    %scan3A = arith.constant 0 : i32
    %scan3A_25 = arith.constant 0 : i32
    %scan3A_26 = arith.constant 400 : i32
    %scan3A_27 = arith.addi %scan3A_25, %scan3A_26 : i32
    %scan3A_28 = arith.constant 4 : i32
    scf.for %scan3A_30 = %scan3A_25 to %scan3A_27 step %scan3A_28  : i32 {
      %mul3A_31 = arith.constant 16 : i32
      %mul3A_32 = arith.muli %scan3A_30, %mul3A_31 : i32
      %get3A = arith.index_cast %mul3A_32 : i32 to index
      %get3A_33 = tpu.vector_load %arg6[%get3A] {strides = array<i32>} : memref<6400xi32, #tpu.memory_space<vmem>>, vector<16xi32>,
      %get3A_34 = arith.index_cast %mul3A_32 : i32 to index
      %get3A_35 = tpu.vector_load %arg7[%get3A_34] {strides = array<i32>} : memref<6400xi32, #tpu.memory_space<vmem>>, vector<16xi32>,
      %bitcast3A = vector.bitcast %get3A_35 : vector<16xi32> to vector<16xf32>
      %gather3A = tpu.vector_load_idx %arg5[%get3A_33] : memref<106496xf32, #tpu.memory_space<vmem>>[vector<16xi32>], vector<16xf32>,
      %iota3A = tpu.iota {dimensions = array<i32: 0>} : vector<16xi32>
      %add3A_36 = vector.broadcast %mul3A_32 : i32 to vector<16xi32>
      %add3A_37 = arith.addi %add3A_36, %iota3A : vector<16xi32>
      %rem3A = arith.constant 50 : i32
      %rem3A_38 = vector.broadcast %rem3A : i32 to vector<16xi32>
      %rem3A_39 = arith.remsi %add3A_37, %rem3A_38 : vector<16xi32>
      %mul3A_40 = arith.mulf %gather3A, %bitcast3A : vector<16xf32>
      tpu.vector_store_idx %arg8[%rem3A_39], %mul3A_40 {add = true} : memref<64xf32, #tpu.memory_space<vmem>>[vector<16xi32>], vector<16xf32>,
      %scan3A_41 = arith.constant 1 : i32
      %scan3A_42 = arith.addi %scan3A_30, %scan3A_41 : i32
      %mul3A_43 = arith.constant 16 : i32
      %mul3A_44 = arith.muli %scan3A_42, %mul3A_43 : i32
      %get3A_45 = arith.index_cast %mul3A_44 : i32 to index
      %get3A_46 = tpu.vector_load %arg6[%get3A_45] {strides = array<i32>} : memref<6400xi32, #tpu.memory_space<vmem>>, vector<16xi32>,
      %get3A_47 = arith.index_cast %mul3A_44 : i32 to index
      %get3A_48 = tpu.vector_load %arg7[%get3A_47] {strides = array<i32>} : memref<6400xi32, #tpu.memory_space<vmem>>, vector<16xi32>,
      %bitcast3A_49 = vector.bitcast %get3A_48 : vector<16xi32> to vector<16xf32>
      %gather3A_50 = tpu.vector_load_idx %arg5[%get3A_46] : memref<106496xf32, #tpu.memory_space<vmem>>[vector<16xi32>], vector<16xf32>,
      %iota3A_51 = tpu.iota {dimensions = array<i32: 0>} : vector<16xi32>
      %add3A_52 = vector.broadcast %mul3A_44 : i32 to vector<16xi32>
      %add3A_53 = arith.addi %add3A_52, %iota3A_51 : vector<16xi32>
      %rem3A_54 = arith.constant 50 : i32
      %rem3A_55 = vector.broadcast %rem3A_54 : i32 to vector<16xi32>
      %rem3A_56 = arith.remsi %add3A_53, %rem3A_55 : vector<16xi32>
      %mul3A_57 = arith.mulf %gather3A_50, %bitcast3A_49 : vector<16xf32>
      tpu.vector_store_idx %arg8[%rem3A_56], %mul3A_57 {add = true} : memref<64xf32, #tpu.memory_space<vmem>>[vector<16xi32>], vector<16xf32>,
      %scan3A_58 = arith.constant 2 : i32
      %scan3A_59 = arith.addi %scan3A_30, %scan3A_58 : i32
      %mul3A_60 = arith.constant 16 : i32
      %mul3A_61 = arith.muli %scan3A_59, %mul3A_60 : i32
      %get3A_62 = arith.index_cast %mul3A_61 : i32 to index
      %get3A_63 = tpu.vector_load %arg6[%get3A_62] {strides = array<i32>} : memref<6400xi32, #tpu.memory_space<vmem>>, vector<16xi32>,
      %get3A_64 = arith.index_cast %mul3A_61 : i32 to index
      %get3A_65 = tpu.vector_load %arg7[%get3A_64] {strides = array<i32>} : memref<6400xi32, #tpu.memory_space<vmem>>, vector<16xi32>,
      %bitcast3A_66 = vector.bitcast %get3A_65 : vector<16xi32> to vector<16xf32>
      %gather3A_67 = tpu.vector_load_idx %arg5[%get3A_63] : memref<106496xf32, #tpu.memory_space<vmem>>[vector<16xi32>], vector<16xf32>,
      %iota3A_68 = tpu.iota {dimensions = array<i32: 0>} : vector<16xi32>
      %add3A_69 = vector.broadcast %mul3A_61 : i32 to vector<16xi32>
      %add3A_70 = arith.addi %add3A_69, %iota3A_68 : vector<16xi32>
      %rem3A_71 = arith.constant 50 : i32
      %rem3A_72 = vector.broadcast %rem3A_71 : i32 to vector<16xi32>
      %rem3A_73 = arith.remsi %add3A_70, %rem3A_72 : vector<16xi32>
      %mul3A_74 = arith.mulf %gather3A_67, %bitcast3A_66 : vector<16xf32>
      tpu.vector_store_idx %arg8[%rem3A_73], %mul3A_74 {add = true} : memref<64xf32, #tpu.memory_space<vmem>>[vector<16xi32>], vector<16xf32>,
      %scan3A_75 = arith.constant 3 : i32
      %scan3A_76 = arith.addi %scan3A_30, %scan3A_75 : i32
      %mul3A_77 = arith.constant 16 : i32
      %mul3A_78 = arith.muli %scan3A_76, %mul3A_77 : i32
      %get3A_79 = arith.index_cast %mul3A_78 : i32 to index
      %get3A_80 = tpu.vector_load %arg6[%get3A_79] {strides = array<i32>} : memref<6400xi32, #tpu.memory_space<vmem>>, vector<16xi32>,
      %get3A_81 = arith.index_cast %mul3A_78 : i32 to index
      %get3A_82 = tpu.vector_load %arg7[%get3A_81] {strides = array<i32>} : memref<6400xi32, #tpu.memory_space<vmem>>, vector<16xi32>,
      %bitcast3A_83 = vector.bitcast %get3A_82 : vector<16xi32> to vector<16xf32>
      %gather3A_84 = tpu.vector_load_idx %arg5[%get3A_80] : memref<106496xf32, #tpu.memory_space<vmem>>[vector<16xi32>], vector<16xf32>,
      %iota3A_85 = tpu.iota {dimensions = array<i32: 0>} : vector<16xi32>
      %add3A_86 = vector.broadcast %mul3A_78 : i32 to vector<16xi32>
      %add3A_87 = arith.addi %add3A_86, %iota3A_85 : vector<16xi32>
      %rem3A_88 = arith.constant 50 : i32
      %rem3A_89 = vector.broadcast %rem3A_88 : i32 to vector<16xi32>
      %rem3A_90 = arith.remsi %add3A_87, %rem3A_89 : vector<16xi32>
      %mul3A_91 = arith.mulf %gather3A_84, %bitcast3A_83 : vector<16xf32>
      tpu.vector_store_idx %arg8[%rem3A_90], %mul3A_91 {add = true} : memref<64xf32, #tpu.memory_space<vmem>>[vector<16xi32>], vector<16xf32>,
    }
    %scan3A_29 = arith.constant 400 : i32
    "tpu.region"() ({
      %run_scoped3A = tpu.sem_alloc : memref<!tpu.dma_semaphore, #tpu.memory_space<semaphore_mem>>
      %dma_start3A_30 = arith.constant 0 : i32
      %dma_start3A_31 = tpu.memref_slice %arg4[%add3A, %dma_start3A_30] : memref<32x64xf32, #tpu.memory_space<hbm>> -> memref<1x64xf32, #tpu.memory_space<hbm>>
      %dma_start3A_32 = tpu.memref_squeeze %dma_start3A_31 : memref<1x64xf32, #tpu.memory_space<hbm>> -> memref<64xf32, #tpu.memory_space<hbm>>
      %dma_start3A_33 = arith.constant 0 : i32
      %dma_start3A_34 = tpu.memref_slice %arg4[%add3A, %dma_start3A_33] : memref<32x64xf32, #tpu.memory_space<hbm>> -> memref<1x64xf32, #tpu.memory_space<hbm>>
      %dma_start3A_35 = tpu.memref_squeeze %dma_start3A_34 : memref<1x64xf32, #tpu.memory_space<hbm>> -> memref<64xf32, #tpu.memory_space<hbm>>
      tpu.enqueue_dma source(%arg8 : memref<64xf32, #tpu.memory_space<vmem>>) target(%dma_start3A_35 : memref<64xf32, #tpu.memory_space<hbm>>) target_semaphore(%run_scoped3A : memref<!tpu.dma_semaphore, #tpu.memory_space<semaphore_mem>>)
      %dma_wait3A_36 = arith.constant 0 : i32
      %dma_wait3A_37 = tpu.memref_slice %arg4[%add3A, %dma_wait3A_36] : memref<32x64xf32, #tpu.memory_space<hbm>> -> memref<1x64xf32, #tpu.memory_space<hbm>>
      %dma_wait3A_38 = tpu.memref_squeeze %dma_wait3A_37 : memref<1x64xf32, #tpu.memory_space<hbm>> -> memref<64xf32, #tpu.memory_space<hbm>>
      %dma_wait3A_39 = arith.constant 0 : i32
      %dma_wait3A_40 = tpu.memref_slice %arg4[%add3A, %dma_wait3A_39] : memref<32x64xf32, #tpu.memory_space<hbm>> -> memref<1x64xf32, #tpu.memory_space<hbm>>
      %dma_wait3A_41 = tpu.memref_squeeze %dma_wait3A_40 : memref<1x64xf32, #tpu.memory_space<hbm>> -> memref<64xf32, #tpu.memory_space<hbm>>
      tpu.wait_dma2 semaphore(%run_scoped3A : memref<!tpu.dma_semaphore, #tpu.memory_space<semaphore_mem>>) src(%arg8 : memref<64xf32, #tpu.memory_space<vmem>>) dst(%dma_wait3A_41 : memref<64xf32, #tpu.memory_space<hbm>>)
      tpu.yield
    }) : () -> ()
    return
  }
}

module attributes {stable_mosaic.version = 14 : i64} {
  func.func @_matvec_body(%arg0: i32, %arg1: memref<1x128xf32, #tpu.memory_space<vmem>>, %arg2: memref<8192x128xf32, #tpu.memory_space<vmem>>, %arg3: memref<8192xf32, #tpu.memory_space<vmem>>) attributes {dimension_semantics = [#tpu.dimension_semantics<arbitrary>], iteration_bounds = array<i64: 13>, scalar_prefetch = 0 : i64, scratch_operands = 0 : i64, tpu.core_type = #tpu.core_type<tc>, window_params = [{pipeline_mode = #tpu.pipeline_mode<synchronous>, transform_indices = @transform_0, window_bounds = array<i64: 1, 128>}, {transform_indices = @transform_1, window_bounds = array<i64: 8192, 128>}, {transform_indices = @transform_2, window_bounds = array<i64: 8192>}]} {
    %get3A = arith.constant 0 : index
    %get3A_0 = arith.constant 0 : index
    %get3A_1 = vector.load %arg1[%get3A, %get3A_0] : memref<1x128xf32, #tpu.memory_space<vmem>>, vector<1x128xf32>
    %convert_element_type3A = arith.truncf %get3A_1 : vector<1x128xf32> to vector<1x128xbf16>
    %get3A_2 = arith.constant 0 : index
    %get3A_3 = arith.constant 0 : index
    %get3A_4 = vector.load %arg2[%get3A_2, %get3A_3] : memref<8192x128xf32, #tpu.memory_space<vmem>>, vector<8192x128xf32>
    %convert_element_type3A_5 = arith.truncf %get3A_4 : vector<8192x128xf32> to vector<8192x128xbf16>
    %dot_general3A = arith.constant dense<0.000000e+00> : vector<1x8192xf32>
    %dot_general3A_6 = tpu.matmul %convert_element_type3A, %convert_element_type3A_5, %dot_general3A {dimension_numbers = #tpu.dot_dimension_numbers<[1], [1], [0], [0], [0, 0, 1, 0], [], []>, transpose_lhs_hint = false} : vector<1x128xbf16>, vector<8192x128xbf16>, vector<1x8192xf32> -> vector<1x8192xf32>
    %reshape3A = vector.shape_cast %dot_general3A_6 : vector<1x8192xf32> to vector<8192xf32>
    %swap3A = arith.constant 0 : index
    %swap3A_7 = vector.load %arg3[%swap3A] : memref<8192xf32, #tpu.memory_space<vmem>>, vector<8192xf32>
    tpu.vector_store %arg3[%swap3A], %reshape3A {strides = array<i32>} : memref<8192xf32, #tpu.memory_space<vmem>>, vector<8192xf32>,
    return
  }
  func.func @transform_0(%arg0: i32) -> (i32, i32) {
    %c0_i32 = arith.constant 0 : i32
    %c0_i32_0 = arith.constant 0 : i32
    %c0_i32_1 = arith.constant 0 : i32
    return %c0_i32, %c0_i32_0 : i32, i32
  }
  func.func @transform_1(%arg0: i32) -> (i32, i32) {
    %c0_i32 = arith.constant 0 : i32
    %c0_i32_0 = arith.constant 0 : i32
    return %arg0, %c0_i32 : i32, i32
  }
  func.func @transform_2(%arg0: i32) -> i32 {
    %c0_i32 = arith.constant 0 : i32
    return %arg0 : i32
  }
}

module attributes {stable_mosaic.version = 14 : i64} {
  func.func @_combine_body(%arg0: memref<32x64xf32, #tpu.memory_space<vmem>>, %arg1: memref<1x1xf32, #tpu.memory_space<vmem>>, %arg2: memref<1x64xf32, #tpu.memory_space<vmem>>) attributes {dimension_semantics = [], scalar_prefetch = 0 : i64, scratch_operands = 0 : i64, tpu.core_type = #tpu.core_type<tc>} {
    %get3A = arith.constant 0 : index
    %get3A_0 = arith.constant 0 : index
    %get3A_1 = vector.load %arg0[%get3A, %get3A_0] : memref<32x64xf32, #tpu.memory_space<vmem>>, vector<32x64xf32>
    %reduce_sum3A = arith.constant dense<0.000000e+00> : vector<64xf32>
    %reduce_sum3A_2 = vector.multi_reduction <add>, %get3A_1, %reduce_sum3A [0] : vector<32x64xf32> to vector<64xf32>
    %broadcast_in_dim3A = vector.shape_cast %reduce_sum3A_2 : vector<64xf32> to vector<1x64xf32>
    %mul3A = arith.constant 2.44140625E-4 : f32
    %mul3A_3 = vector.broadcast %mul3A : f32 to vector<1x64xf32>
    %mul3A_4 = arith.mulf %broadcast_in_dim3A, %mul3A_3 : vector<1x64xf32>
    %get3A_5 = arith.constant 0 : index
    %get3A_6 = arith.constant 0 : index
    %get3A_7 = vector.load %arg1[%get3A_5, %get3A_6] : memref<1x1xf32, #tpu.memory_space<vmem>>, vector<1x1xf32>
    %get3A_8 = vector.extract %get3A_7[0, 0] : f32 from vector<1x1xf32>
    %add3A = vector.broadcast %get3A_8 : f32 to vector<1x64xf32>
    %add3A_9 = arith.addf %mul3A_4, %add3A : vector<1x64xf32>
    %logistic3A = arith.negf %add3A_9 : vector<1x64xf32>
    %logistic3A_10 = math.exp %logistic3A : vector<1x64xf32>
    %logistic3A_11 = arith.constant 1.000000e+00 : f32
    %logistic3A_12 = vector.broadcast %logistic3A_11 : f32 to vector<1x64xf32>
    %logistic3A_13 = arith.addf %logistic3A_12, %logistic3A_10 : vector<1x64xf32>
    %logistic3A_14 = arith.divf %logistic3A_12, %logistic3A_13 : vector<1x64xf32>
    %swap3A = arith.constant 0 : index
    %swap3A_15 = arith.constant 0 : index
    %swap3A_16 = vector.load %arg2[%swap3A, %swap3A_15] : memref<1x64xf32, #tpu.memory_space<vmem>>, vector<1x64xf32>
    tpu.vector_store %arg2[%swap3A, %swap3A_15], %logistic3A_14 {strides = array<i32>} : memref<1x64xf32, #tpu.memory_space<vmem>>, vector<1x64xf32>,
    return
  }
}

</mosaic_0001>

<sc_bundles>
// kernel: kernel.5.cloned.1.call-start
scs
__scs_entry_jumppad:
0x0: {  	(pc) =	sbr.rel $0x88, $3  }
0x1: {  	(tag) =	ssettag $0x0;
	lr =	simm.s32 $0x1  }
0x2: {  	[smem:$0x3F9C] =	sst lr;
	_ =	strace $0xD0000000  }
0x3: {  	_ = 	snop  }
0x4: {  	_ = 	snop  }
0x5: {  	_ = 	snop  }
0x6: {  	_ = 	snop  }
0x7: {  	_ = 	snop  }
__scs_overlays_trampoline_lowered:
0x8: {  	[smem:$0x3FAB] =	sst s0  }
0x9: {  	[smem:$0x3FAC] =	sst s1  }
0xa: {  	[smem:$0x3FAD] =	sst s2  }
0xb: {  	[smem:$0x3FAE] =	sst s3  }
0xc: {  	[smem:$0x3FAF] =	sst s4  }
0xd: {  	[smem:$0x3FB0] =	sst s5  }
0xe: {  	[smem:$0x3FB1] =	sst s6  }
0xf: {  	[smem:$0x3FB2] =	sst s7  }
0x10: {  	[smem:$0x3FB3] =	sst s8  }
0x11: {  	[smem:$0x3FB4] =	sst s9;
	s0 =	simm.s32 @!p0 $0x0  }
0x12: {  	s1 =	sld [smem:$0x3F9A];
	s0 =	simm.s32 @p0 $0x1  }
0x13: {  	[smem:$0x3FB5] =	sst s0;
	s0 =	simm.s32 @!p1 $0x0  }
0x14: {  	s2 =	sld [smem:$0x3F99];
	s0 =	simm.s32 @p1 $0x1  }
0x15: {  	[smem:$0x3FB6] =	sst s0;
	s0 =	simm.s32 @!p2 $0x0  }
0x16: {  	s3 =	sld [smem:$0x3FDB];
	s0 =	simm.s32 @p2 $0x1  }
0x17: {  	s4 =	simm.s32 $0x1BF5;
	[smem:$0x3FB8] =	sst s0  }
0x18: {  	s0 =	sld [smem:$0x3F9B];
	_ =	swait.ge [sflag:s4], $0x0  }
0x19: {  	s7 =	sld [smem:$0x3F9C]  }
0x1a: {  	s8 =	sadd.s32 $0xFFFFE003, lr  }
0x1b: {  	s9 =	sadd.s32 $0xFFFFFEF7, lr;
	s5 =	simm.s32 $0xFFFFFFFF;
	p2 =	slt.u32 s8, $0xFFFFF086  }
0x1c: {  	p1 =	slt.u32 s9, $0xF7A;
	s5 =	simm.s32 @!p2 $0x0  }
0x1d: {  	s5 =	simm.s32 @p1 $0x1;
	p0 =	seq.s32 s7, s2  }
0x1e: {  	s7 =	smul.u32 @!p0 $0xF7A, s2;
	p2 =	seq.s32 @!p0 s5, $0x0  }
0x1f: {  	s9 =	smul.u32 $0xF7A, s1;
	s8 =	simm.s32 @!p0 $0x1BF5;
	p2 =	por !p2, p0  }
0x20: {  	[sflag:s8] =	ssyncset.s32 @!p0 $0xFFFFF086;
	s6 =	sadd.s32 @!p0 s3, s7;
	s7 =	simm.s32 @!p0 $0x108  }
0x21: {  	s3 =	sadd.s32 s3, s9;
	s6 =	sadd.s32 @!p0 $0x88, s6;
	s7 =	simm.s32 @p2 $0x1082  }
0x22: {  	[simem:s7], [sflag:s8] =	dma.local @!p0 [hbm:s6], $0xF7A  }
0x23: {  	s9 =	sor.u32 $0xD0000000, s2;
	s6 =	simm.s32 $0x108;
	_ =	swait.ge @!p0 [sflag:s8], $0x0  }
0x24: {  	s3 =	sadd.s32 $0x88, s3;
	s6 =	simm.s32 @!p1 $0x1082;
	[sflag:s4] =	ssyncset.s32 $0xFFFFF086  }
0x25: {  	[simem:s6], [sflag:s4] =	dma.local [hbm:s3], $0xF7A  }
0x26: {  	[smem:$0x3F9C] =	sst s1;
	(tag) =	ssettag s2;
	_ =	strace s9  }
0x27: {  	s1 =	sld [smem:$0x3FAC]  }
0x28: {  	s2 =	sld [smem:$0x3FAD]  }
0x29: {  	s4 =	sld [smem:$0x3FAF]  }
0x2a: {  	p0 =	seq.s32 s5, $0x0;
	s5 =	sld [smem:$0x3FB0]  }
0x2b: {  	s6 =	sld [smem:$0x3FB1]  }
0x2c: {  	s7 =	sld [smem:$0x3FB2]  }
0x2d: {  	s3 =	simm.s32 $0x108;
	s8 =	sld [smem:$0x3FB3]  }
0x2e: {  	s3 =	simm.s32 @!p0 $0x1082;
	s9 =	sld [smem:$0x3FB4]  }
0x2f: {  	lr =	sadd.s32 s0, s3;
	s0 =	sld [smem:$0x3FAB]  }
0x30: {  	s3 =	sld [smem:$0x3FAE]  }
0x31: {  	[smem:$0x3FB7] =	sst s10  }
0x32: {  	s10 =	sld [smem:$0x3FB5];
	_ =	sdelay $0x3  }
0x33: {  	p0 =	seq.s32 s10, $0x1;
	s10 =	sld [smem:$0x3FB7];
	_ =	sdelay $0x3  }
0x34: {  	[smem:$0x3FB7] =	sst s10  }
0x35: {  	s10 =	sld [smem:$0x3FB6];
	_ =	sdelay $0x3  }
0x36: {  	p1 =	seq.s32 s10, $0x1;
	s10 =	sld [smem:$0x3FB7];
	_ =	sdelay $0x3  }
0x37: {  	[smem:$0x3FB7] =	sst s10  }
0x38: {  	s10 =	sld [smem:$0x3FB8]  }
0x39: {  	_ = 	snop;
	(pc) =	sbr.ind lr, $3  }
0x3a: {  	_ = 	snop  }
0x3b: {  	_ = 	snop  }
0x3c: {  	p2 =	seq.s32 s10, $0x1;
	s10 =	sld [smem:$0x3FB7]  }
0x3d: {  	_ =	shalt  }
0x3e: {  	_ =	shalt  }
0x3f: {  	_ =	shalt  }
0x40: {  	_ =	shalt  }
0x41: {  	_ =	shalt  }
0x42: {  	_ =	shalt  }
0x43: {  	_ =	shalt  }
0x44: {  	_ =	shalt  }
0x45: {  	_ =	shalt  }
0x46: {  	_ =	shalt  }
0x47: {  	_ =	shalt  }
0x48: {  	_ =	shalt  }
0x49: {  	_ =	shalt  }
0x4a: {  	_ =	shalt  }
0x4b: {  	_ =	shalt  }
0x4c: {  	_ =	shalt  }
0x4d: {  	_ =	shalt  }
0x4e: {  	_ =	shalt  }
0x4f: {  	_ =	shalt  }
0x50: {  	_ =	shalt  }
0x51: {  	_ =	shalt  }
0x52: {  	_ =	shalt  }
0x53: {  	_ =	shalt  }
0x54: {  	_ =	shalt  }
0x55: {  	_ =	shalt  }
0x56: {  	_ =	shalt  }
0x57: {  	_ =	shalt  }
0x58: {  	_ =	shalt  }
0x59: {  	_ =	shalt  }
0x5a: {  	_ =	shalt  }
0x5b: {  	_ =	shalt  }
0x5c: {  	_ =	shalt  }
0x5d: {  	_ =	shalt  }
0x5e: {  	_ =	shalt  }
0x5f: {  	_ =	shalt  }
0x60: {  	_ =	shalt  }
0x61: {  	_ =	shalt  }
0x62: {  	_ =	shalt  }
0x63: {  	_ =	shalt  }
0x64: {  	_ =	shalt  }
0x65: {  	_ =	shalt  }
0x66: {  	_ =	shalt  }
0x67: {  	_ =	shalt  }
0x68: {  	_ =	shalt  }
0x69: {  	_ =	shalt  }
0x6a: {  	_ =	shalt  }
0x6b: {  	_ =	shalt  }
0x6c: {  	_ =	shalt  }
0x6d: {  	_ =	shalt  }
0x6e: {  	_ =	shalt  }
0x6f: {  	_ =	shalt  }
0x70: {  	_ =	shalt  }
0x71: {  	_ =	shalt  }
0x72: {  	_ =	shalt  }
0x73: {  	_ =	shalt  }
0x74: {  	_ =	shalt  }
0x75: {  	_ =	shalt  }
0x76: {  	_ =	shalt  }
0x77: {  	_ =	shalt  }
0x78: {  	_ =	shalt  }
0x79: {  	_ =	shalt  }
0x7a: {  	_ =	shalt  }
0x7b: {  	_ =	shalt  }
0x7c: {  	_ =	shalt  }
0x7d: {  	_ =	shalt  }
0x7e: {  	_ =	shalt  }
0x7f: {  	_ =	shalt  }
0x80: {  	_ =	shalt  }
0x81: {  	_ =	shalt  }
0x82: {  	_ =	shalt  }
0x83: {  	_ =	shalt  }
0x84: {  	_ =	shalt  }
0x85: {  	_ =	shalt  }
0x86: {  	_ =	shalt  }
0x87: {  	_ =	shalt  }
.Lfunc_end0:
.L_simem_size_0:
called_computation_lowered:
.L_overlay_start_0:
0x88: {  	s2 =	sld [smem:$0x3FD9]  }
0x89: {  	s3 =	sld [smem:$0x3FFE];
	_ =	sdelay $0x1  }
0x8a: {  	s1 =	srdreg.scid  }
0x8b: {  	s0 =	sand.u32 $0x1, s1  }
0x8c: {  	s16 =	sshll.u32 s0, $0xA;
	s2 =	sadd.s32 s3, s2  }
0x8d: {  	s2 =	sadd.s32 s2, s16  }
0x8e: {  	[smem:$0x3FC3] =	sst s2  }
0x8f: {  	_ = 	snop  }
0x90: {  	(tm) =	ssettm $0x1  }
0x91: {  	s17 =	sld [smem:$0x3FFB];
	_ =	sdelay $0x3  }
0x92: {  	_ =	strace s17  }
0x93: {  	s2 =	sld [smem:$0x3FFC];
	_ =	sdelay $0x3  }
0x94: {  	_ =	strace s2  }
0x95: {  	s2 =	sld [smem:$0x3FFD];
	_ =	sdelay $0x3  }
0x96: {  	_ =	strace s2  }
0x97: {  	_ =	strace $0x8FFFFFFF  }
0x98: {  	s18 =	sld [smem:$0x3FDB];
	_ =	sdelay $0x1  }
0x99: {  	s19 =	simm.s32 $_scs_section_size  }
0x9a: {  	s4 =	simm.s32 $_size__tile_overlayer_lowered;
	s5 =	simm.s32 $_tile_overlayer_lowered  }
0x9b: {  	s22 =	simm.s32 $0x1BFF;
	s21 =	sshll.u32 s5, $0x1;
	s2 =	sadd.s32 s19, s18  }
0x9c: {  	s6 =	simm.s32 $0x0;
	s20 =	sshll.u32 s4, $0x1;
	s4 =	sadd.s32 s21, s2  }
0x9d: {  	[timem:s6], [sflag:s22] =	dma.local [hbm:s4], s20  }
0x9e: {  	_ =	swait.ge [sflag:s22], s20  }
0x9f: {  	s3 =	ssub.s32 $0x0, s20;
	[sflag:s22] =	ssyncset.done $0x0  }
0xa0: {  	[sflag:s22] =	ssyncadd.s32 s3;
	_ =	sdelay $0x1  }
0xa1: {  	s23 =	simm.s32 $0x1B8B  }
0xa2: {  	_ =	swait.ge [sflag:s23], $0x1  }
0xa3: {  	[sflag:s23] =	ssyncset.done $0x0  }
0xa4: {  	s25 =	simm.s32 $0x1B8E;
	s24 =	sld [smem:$0x3FFE];
	[sflag:s23] =	ssyncadd.s32 $0xFFFFFFFF  }
0xa5: {  	s26 =	simm.s32 $execute0_lowered;
	[smem:$0x3FD2] =	sst s25  }
0xa6: {  	s4 =	sshll.u32 s26, $0x1;
	_ =	strace $0x80000046;
	[dreg:$0x1] =	wrdreg $0xFFFFFFFF  }
0xa7: {  	s28 =	simm.s32 $_size_execute0_lowered;
	s2 =	sadd.s32 s2, s4;
	[dreg:$0x0] =	wrdreg $0x0  }
0xa8: {  	s4 =	sshll.u32 s28, $0x1;
	[dreg:$0x2] =	wrdreg s2  }
0xa9: {  	[dreg:$0x3] =	wrdreg s4  }
0xaa: {  	[dreg:$0x4] =	wrdreg $0xC0  }
0xab: {  	_ =	task [dreg:s6], $0x5FFFF  }
0xac: {  	[dreg:$0x1] =	wrdreg $0xFFFFFFFF  }
0xad: {  	[dreg:$0x0] =	wrdreg $0x60  }
0xae: {  	[dreg:$0x2] =	wrdreg s24  }
0xaf: {  	[dreg:$0x3] =	wrdreg $0x9  }
0xb0: {  	_ =	task.clear_ibuf [dreg:s6], $0x4FFFF;
	_ =	strace $0x90000046  }
0xb1: {  	s29 =	simm.s32 $0x9;
	_ =	strace $0x80000048  }
0xb2: {  	_ =	swait.ge [sflag:s29], $0x1  }
0xb3: {  	[sflag:s29] =	ssyncadd.s32 $0xFFFFFFFF  }
0xb4: {  	_ =	strace $0x90000048  }
0xb5: {  	_ =	sfence  }
0xb6: {  	s30 =	sld [smem:$0x0];
	_ =	sdelay $0x2  }
0xb7: {  	s31 =	sshll.u32 s1, $0xD;
	s1 =	sshrl.u32 s1, $0x2  }
0xb8: {  	s3 =	sand.u32 $0x4000, s31;
	s1 =	sadd.s32 s1, s30  }
0xb9: {  	s0 =	sor.u32 s3, s0;
	s1 =	sshll.u32 s1, $0x11  }
0xba: {  	s0 =	sor.u32 s1, s0  }
0xbb: {  	s0 =	sadd.s32 $0x8F2B, s0  }
0xbc: {  	[sflag:s0] =	ssyncadd.remote.s32 $0x1  }
0xbd: {  	_ =	sfence.sel $0xFFFF  }
0xbe: {  	[dreg:$0x0] =	wrdreg $0xFFFFFFFF;
	(pc) =	sbr.abs _section_cstart, $3  }
0xbf: {  	[dreg:$0x1] =	wrdreg $0xFFFFFFFF  }
0xc0: {  	_ =	task.clear_ibuf [dreg:s6], $0x2FFFF;
	_ =	strace $0x9FFFFFFF  }
0xc1: {  	(tm) =	ssettm $0x7FFFFFFF  }
tec
execute0_lowered:
.L_overlay_start_1:
0x0: {  	(tag) =	ssettag $0x1  }
0x1: {  	s1 =	srdreg.scid  }
0x2: {  	s0 =	stileid.u32;
	s4 =	rddreg [dreg:$0x0];
	s2 =	simm.s32 $0x0  }
0x3: {  	s9 =	simm.s32 $0x1B900;
	s10 =	simm.s32 $0x2;
	s11 =	simm.s32 $0x3  }
0x4: {  	s12 =	simm.s32 $0x1;
	s5 =	sand.u32 $0x1, s1;
	s3 =	sshll.u32 s0, $0x1  }
0x5: {  	s13 =	simm.s32 $0x1D200;
	s14 =	simm.s32 $0x4;
	s6 =	sor.u32 s5, s3  }
0x6: {  	s15 =	simm.s32 $0x0;
	[smem:$0x7FF] =	sst s2;
	s7 =	smul.u32 $0x1900, s6  }
0x7: {  	s1 =	rddreg [dreg:$0x1];
	_ =	strace $0x80000047;
	s3 =	sadd.s32 $0xD400, s4  }
0x8: {  	s5 =	ssub.s32 $0x2, s5;
	s6 =	sshll.u32 s6, $0x4;
	s7 =	sshrl.u32 s7, $0x3  }
0x9: {  	s8 =	sshrl.u32 s5, $0x1;
	s6 =	sadd.s32 s6, s4;
	s7 =	sadd.s32 s7, s4  }
0xa: {  	s8 =	ssub.s32 s5, s8;
	s6 =	sadd.s32 $0x10800, s6;
	s4 =	sadd.s32 $0xC00, s7  }
0xb: {  	v0 =	vimm.f32 $0.0e+00;
	v1 =	vlaneseq.u32;
	s5 =	sadd.s32 $0x7000, s7;
	s7 =	smax.u32 s8, $0x1;
	s8 =	simm.s32 $0x1A000  }
.LBB2_1:
0xc: {  	[tilespmem:s2], [sflag:$0x1] =	stream.linear.gather [hbm4b:s3+s2], $0x1A000, $0x38;
	[tilespmem:$0x1D280] =	vst v63  }
0xd: {  	_ = 	snop  }
0xe: {  	[tilespmem:s8], [sflag:$0x2] =	stream.linear.gather [hbm4b:s4+s2], $0x1900, $0x38;
	[tilespmem:$0x1D280] =	vst v63  }
0xf: {  	_ = 	snop  }
0x10: {  	[tilespmem:s9], [sflag:$0x3] =	stream.linear.gather [hbm4b:s5+s2], $0x1900, $0x38;
	[tilespmem:$0x1D280] =	vst v63  }
0x11: {  	[tilespmem:$0x1D200] =	vst v0  }
0x12: {  	[tilespmem:$0x1D210] =	vst v0  }
0x13: {  	[tilespmem:$0x1D220] =	vst v0  }
0x14: {  	[tilespmem:$0x1D230] =	vst v0  }
0x15: {  	_ =	swait.ge [sflag:s10], $0x1900  }
0x16: {  	[sflag:s10] =	ssyncset.done $0x0  }
0x17: {  	[sflag:s10] =	ssyncadd.s32 $0xFFFFE700  }
0x18: {  	_ =	swait.ge [sflag:s11], $0x1900  }
0x19: {  	[sflag:s11] =	ssyncset.done $0x0  }
0x1a: {  	[sflag:s11] =	ssyncadd.s32 $0xFFFFE700  }
0x1b: {  	_ =	swait.ge [sflag:s12], $0x1A000  }
0x1c: {  	s16 =	simm.s32 $0xFFFFFFFC;
	s17 =	simm.s32 $0x1A020;
	[sflag:s12] =	ssyncset.done $0x0  }
0x1d: {  	s18 =	simm.s32 $0x1B920;
	s19 =	simm.s32 $0x0;
	[sflag:s12] =	ssyncadd.s32 $0xFFFE6000  }
.LBB2_2:
0x1e: {  	v2 =	vld [tilespmem:s17+$0xFFFFFFE0];
	_ =	sdelay $0x3  }
0x1f: {  	v3 =	vor.u32 s19, v1  }
0x20: {  	v4 =	vmulhi.u32 $0x51EB851F, v3;
	_ =	sdelay $0x1  }
0x21: {  	v5 =	vld [tilespmem:s18+$0xFFFFFFE0];
	v4 =	vshrl.u32 v4, $0x4  }
0x22: {  	v4 =	vmul.u32 $0x32, v4;
	v2 =	vld.idx.msk [tilespmem:v2+s2+$0x0], $0xffff;
	_ =	sdelay $0x1  }
0x23: {  	v3 =	vsub.s32 v3, v4;
	_ =	sdelay $0x2  }
0x24: {  	v2 =	vmul.f32 v2, v5;
	_ =	sdelay $0x1  }
0x25: {  	[tilespmem:v3+s13+$0x0] =	vst.idx.add.f32.msk $0xffff, v2  }
0x26: {  	v2 =	vld [tilespmem:s17+$0xFFFFFFF0];
	_ =	sdelay $0x2  }
0x27: {  	s20 =	sadd.s32 $0x10, s19  }
0x28: {  	v3 =	vor.u32 s20, v1  }
0x29: {  	v58 =	vmulhi.u32 $0x51EB851F, v3;
	_ =	sdelay $0x1  }
0x2a: {  	v59 =	vld [tilespmem:s18+$0xFFFFFFF0];
	v4 =	vshrl.u32 v58, $0x4  }
0x2b: {  	v4 =	vmul.u32 $0x32, v4;
	v2 =	vld.idx.msk [tilespmem:v2+s2+$0x0], $0xffff;
	_ =	sdelay $0x1  }
0x2c: {  	v3 =	vsub.s32 v3, v4;
	_ =	sdelay $0x2  }
0x2d: {  	v2 =	vmul.f32 v2, v59;
	_ =	sdelay $0x1  }
0x2e: {  	[tilespmem:v3+s13+$0x0] =	vst.idx.add.f32.msk $0xffff, v2  }
0x2f: {  	v2 =	vld [tilespmem:s17+$0x0];
	_ =	sdelay $0x2  }
0x30: {  	s30 =	sadd.s32 $0x20, s19  }
0x31: {  	v3 =	vor.u32 s30, v1  }
0x32: {  	v60 =	vmulhi.u32 $0x51EB851F, v3;
	_ =	sdelay $0x1  }
0x33: {  	v61 =	vld [tilespmem:s18+$0x0];
	v4 =	vshrl.u32 v60, $0x4  }
0x34: {  	v4 =	vmul.u32 $0x32, v4;
	v2 =	vld.idx.msk [tilespmem:v2+s2+$0x0], $0xffff;
	_ =	sdelay $0x1  }
0x35: {  	v3 =	vsub.s32 v3, v4;
	_ =	sdelay $0x2  }
0x36: {  	v2 =	vmul.f32 v2, v61;
	_ =	sdelay $0x1  }
0x37: {  	[tilespmem:v3+s13+$0x0] =	vst.idx.add.f32.msk $0xffff, v2  }
0x38: {  	v2 =	vld [tilespmem:s17+$0x10];
	_ =	sdelay $0x2  }
0x39: {  	s31 =	sadd.s32 $0x30, s19  }
0x3a: {  	v3 =	vor.u32 s31, v1  }
0x3b: {  	v62 =	vmulhi.u32 $0x51EB851F, v3;
	_ =	sdelay $0x1  }
0x3c: {  	v63 =	vld [tilespmem:s18+$0x10];
	v4 =	vshrl.u32 v62, $0x4  }
0x3d: {  	v4 =	vmul.u32 $0x32, v4;
	v2 =	vld.idx.msk [tilespmem:v2+s2+$0x0], $0xffff  }
0x3e: {  	s16 =	sadd.s32 $0x4, s16  }
0x3f: {  	p0 =	slt.u32 s16, $0x18C;
	v3 =	vsub.s32 v3, v4  }
.Ltmp0:
0x40: {  	_ = 	snop;
	(pc) =	sbr.rel @p0 .LBB2_2-.Ltmp0, $3  }
0x41: {  	_ = 	snop  }
0x42: {  	v2 =	vmul.f32 v2, v63;
	_ =	sdelay $0x1  }
0x43: {  	s19 =	sadd.s32 $0x40, s19;
	s17 =	sadd.s32 $0x40, s17;
	s18 =	sadd.s32 $0x40, s18;
	[tilespmem:v3+s13+$0x0] =	vst.idx.add.f32.msk $0xffff, v2  }
0x44: {  	s15 =	sadd.s32 $0x1, s15  }
0x45: {  	p0 =	sne.s32 s15, s7  }
.Ltmp1:
0x46: {  	_ = 	snop;
	(pc) =	sbr.rel @p0 .LBB2_1-.Ltmp1, $4  }
0x47: {  	[hbm4b:s6+s2] =	stream.linear.scatter [tilespmem:s13], [sflag:$0x4], $0x80, $0x38;
	[tilespmem:$0x1D280] =	vst v63  }
0x48: {  	_ =	swait.ge [sflag:s14], $0x80  }
0x49: {  	[sflag:s14] =	ssyncset.done $0x0  }
0x4a: {  	[sflag:s14] =	ssyncadd.s32 $0xFFFFFF80  }
0x4b: {  	_ =	sfence.sel $0x180000  }
0x4c: {  	[bflag:$0x0] =	sbarrier.arrive $0xFFFF  }
0x4d: {  	p0 =	sne.s32 s0, $0x0;
	_ =	strace $0x90000047  }
0x4e: {  	s0 =	sadd.s32 @!p0 $0x100000, s1;
	[bflag:$0x2] =	sbarrier.arrive $0xFFFF  }
0x4f: {  	[sflag:s0] =	ssyncadd.tile.s32 @!p0 $0x1;
	_ =	shalt  }
.Lfunc_end2:
_tile_overlayer_lowered:
.L_overlay_start_2:
0x50: {  	(tag) =	ssettag $0x2  }
0x51: {  	s0 =	rddreg [dreg:$0x0];
	s2 =	stileid.u32  }
0x52: {  	s1 =	rddreg [dreg:$0x1];
	p0 =	sne.s32 s2, $0x0  }
0x53: {  	s3 =	rddreg [dreg:$0x2];
	[bflag:$0x3] =	sbarrier.arrive $0xFFFF;
	s2 =	simm.s32 @!p0 $0x1C04  }
0x54: {  	[timem:s3], [sflag:s2] =	dma.local @!p0 [hbm:s0], s1  }
0x55: {  	s0 =	simm.s32 @!p0 $0x4  }
0x56: {  	_ =	swait.ge @!p0 [sflag:s0], s1  }
0x57: {  	s1 =	ssub.s32 @!p0 $0x0, s1;
	[sflag:s0] =	ssyncset.done @!p0 $0x0  }
0x58: {  	[sflag:s0] =	ssyncadd.s32 @!p0 s1  }
0x59: {  	[bflag:$0x3] =	sbarrier.arrive $0xFFFF  }
0x5a: {  	_ =	shalt  }

</sc_bundles>
